<compile_context>
chip_gen: v7x
topology: tpu7x:2x2x1
jax: 0.10.2.dev20260603
libtpu: 0.0.44.dev20260713+nightly
codegen_flags: <defaults>
</compile_context>

<pallas_src>
import functools

import jax
import jax.numpy as jnp
from jax import lax
from jax.experimental import pallas as pl
from jax.experimental.pallas import tpu as pltpu
from jax.experimental.pallas import tpu_sc as plsc

K = 8192
D = 256
ROWS = 4608
RB = 576
KBLK = 2048
NKB = K // KBLK
NRB = ROWS // RB

NSC = 2
NSUB = 16
NW = NSC * NSUB
BPW = ROWS // NW
NCH = BPW // 16


def _vq_body(z_ref, w_ref, sw_ref, idx_ref, enc_ref,
             best_ref, bidx_ref, fidx_ref):
    r = pl.program_id(0)
    kb = pl.program_id(1)
    rc = jnp.minimum(r, NRB - 1)
    so = (rc % 2) * RB
    po = (jnp.maximum(r - 1, 0) % 2) * RB

    zb = z_ref[0]
    nx = jnp.sqrt(jnp.sum(zb * zb, axis=0, keepdims=True))
    xn = zb / jnp.clip(nx, 1e-12)
    zsc = xn * (-2.0)
    sxr = jnp.sum(xn * xn, axis=0, keepdims=True)
    sx = jnp.transpose(sxr)

    w = w_ref[pl.ds(kb * KBLK, KBLK), :]
    mm2 = lax.dot_general(zsc, w, (((0,), (1,)), ((), ())),
                          preferred_element_type=jnp.float32)
    d = (sx + sw_ref[:, pl.ds(kb * KBLK, KBLK)]) + mm2
    m = jnp.min(d, axis=1, keepdims=True)
    ii = lax.broadcasted_iota(jnp.int32, (1, KBLK), 1)
    cand = jnp.where(d == m, ii, jnp.int32(2**30))
    imin = jnp.min(cand, axis=1, keepdims=True) + kb * KBLK

    @pl.when(kb == 0)
    def _():
        best_ref[pl.ds(so, RB), :] = m
        bidx_ref[pl.ds(so, RB), :] = imin

    @pl.when(kb > 0)
    def _():
        b = best_ref[pl.ds(so, RB), :]
        bi = bidx_ref[pl.ds(so, RB), :]
        better = m < b
        best_ref[pl.ds(so, RB), :] = jnp.where(better, m, b)
        bidx_ref[pl.ds(so, RB), :] = jnp.where(better, imin, bi)

    @pl.when(kb == NKB - 1)
    def _():
        bi = bidx_ref[pl.ds(so, RB), :]
        idx_ref[...] = bi
        fidx_ref[pl.ds(so, RB), :] = bi

    idxp = fidx_ref[pl.ds(po, RB), :] - kb * KBLK
    enc_ref[...] = jnp.where(ii == idxp, 1.0, 0.0).astype(jnp.float32)


def _vq_encode(z3, wn, sw):
    return pl.pallas_call(
        _vq_body,
        grid=(NRB + 1, NKB),
        in_specs=[
            pl.BlockSpec((1, D, RB),
                         lambda r, kb: (jnp.minimum(r, NRB - 1), 0, 0)),
            pl.BlockSpec((K, D), lambda r, kb: (0, 0)),
            pl.BlockSpec((1, K), lambda r, kb: (0, 0)),
        ],
        out_specs=[
            pl.BlockSpec((RB, 1), lambda r, kb: (jnp.minimum(r, NRB - 1), 0)),
            pl.BlockSpec((RB, KBLK), lambda r, kb: (jnp.maximum(r - 1, 0), kb)),
        ],
        out_shape=[
            jax.ShapeDtypeStruct((ROWS, 1), jnp.int32),
            jax.ShapeDtypeStruct((ROWS, K), jnp.float32),
        ],
        scratch_shapes=[
            pltpu.VMEM((2 * RB, 1), jnp.float32),
            pltpu.VMEM((2 * RB, 1), jnp.int32),
            pltpu.VMEM((2 * RB, 1), jnp.int32),
        ],
    )(z3, wn, sw)


def _sc_stage(table, idx):
    mesh = plsc.VectorSubcoreMesh(core_axis_name="c", subcore_axis_name="s",
                                  num_cores=NSC, num_subcores=NSUB)

    @functools.partial(
        pl.kernel, mesh=mesh,
        compiler_params=pltpu.CompilerParams(needs_layout_passes=False),
        out_type=[
            jax.ShapeDtypeStruct((ROWS, D), jnp.float32),
            jax.ShapeDtypeStruct((NW, K), jnp.float32),
        ],
        scratch_types=[
            pltpu.VMEM((BPW,), jnp.int32),
            pltpu.VMEM((BPW, D), jnp.float32),
            pltpu.VMEM((K,), jnp.float32),
            pltpu.SemaphoreType.DMA,
        ],
    )
    def sc_kernel(table_hbm, idx_hbm, q_hbm, counts_hbm,
                  idx_v, rows_v, hist_v, gsem):
        cid = lax.axis_index("c")
        sid = lax.axis_index("s")
        wid = sid * NSC + cid
        base = wid * BPW

        pltpu.sync_copy(idx_hbm.at[pl.ds(base, BPW)], idx_v)

        h = BPW // 2
        g0 = pltpu.async_copy(table_hbm.at[idx_v.at[pl.ds(0, h)]],
                              rows_v.at[pl.ds(0, h)], gsem)
        g1 = pltpu.async_copy(table_hbm.at[idx_v.at[pl.ds(h, h)]],
                              rows_v.at[pl.ds(h, h)], gsem)

        lane = lax.broadcasted_iota(jnp.int32, (16,), 0)

        def _zero(i, _):
            hist_v[pl.ds(i * 16, 16)] = jnp.zeros((16,), jnp.float32)
            return 0

        lax.fori_loop(0, K // 16, _zero, 0)

        def _bump(j, _):
            c = j // 16
            l = j - c * 16
            idxc = idx_v[pl.ds(c * 16, 16)]
            plsc.addupdate_scatter(hist_v, [idxc],
                                   jnp.ones((16,), jnp.float32),
                                   mask=lane == l)
            return 0

        lax.fori_loop(0, BPW, _bump, 0)
        pltpu.sync_copy(hist_v, counts_hbm.at[wid])

        g0.wait()
        g1.wait()
        pltpu.sync_copy(rows_v, q_hbm.at[pl.ds(base, BPW)])

    return sc_kernel(table, idx)


def _st_loss_body(q_ref, x_ref, c_ref, qst_ref, loss_ref, perp_ref):
    q = q_ref[...]
    x = x_ref[...]
    diff = q - x
    qst_ref[...] = x + diff
    s = jnp.sum(diff * diff, axis=1, keepdims=True)
    s0 = jnp.sum(s, axis=0, keepdims=True)
    loss_ref[...] = 0.25 * (s0 * (1.0 / (ROWS * D)))
    counts = jnp.sum(c_ref[...], axis=0, keepdims=True)
    p = counts * (1.0 / ROWS)
    ent = jnp.sum(p * jnp.log(p + 1e-10), axis=1, keepdims=True)
    perp_ref[...] = jnp.exp(-ent)


def _st_loss(q, flat_x, counts2):
    return pl.pallas_call(
        _st_loss_body,
        grid=(1,),
        in_specs=[
            pl.BlockSpec((ROWS, D), lambda i: (0, 0)),
            pl.BlockSpec((ROWS, D), lambda i: (0, 0)),
            pl.BlockSpec((NW, K), lambda i: (0, 0)),
        ],
        out_specs=[
            pl.BlockSpec((ROWS, D), lambda i: (0, 0)),
            pl.BlockSpec((1, 1), lambda i: (0, 0)),
            pl.BlockSpec((1, 1), lambda i: (0, 0)),
        ],
        out_shape=[
            jax.ShapeDtypeStruct((ROWS, D), jnp.float32),
            jax.ShapeDtypeStruct((1, 1), jnp.float32),
            jax.ShapeDtypeStruct((1, 1), jnp.float32),
        ],
    )(q, flat_x, counts2)


def kernel(z, W):
    inputs = jnp.transpose(z, (0, 2, 3, 1))
    input_shape = inputs.shape
    flat_x = inputs.reshape(-1, D)
    nw = jnp.linalg.norm(W, axis=1, keepdims=True)
    wn = W / jnp.clip(nw, 1e-12)
    sw = jnp.sum(wn ** 2, axis=1)[None, :]
    z3 = z.reshape(NRB, D, RB)

    idx2, encodings = _vq_encode(z3, wn, sw)
    idx = idx2.reshape(ROWS)

    q, counts2 = _sc_stage(W, idx)
    qst, loss, perp = _st_loss(q, flat_x, counts2)

    quantized_out = jnp.transpose(qst.reshape(input_shape), (0, 3, 1, 2))
    return (quantized_out, loss[0, 0], perp[0, 0], encodings)

# --- scband reference (transcript-rebuilt; emitter-appended) ---
"""Pipeline reference for scband-model-vq-75849122447892 (READ-ONLY COPY).

The authoritative reference and input builder live on the scoring server;
editing this copy changes nothing except your own understanding.
"""

import jax, jax.numpy as jnp
import numpy as np

NUM_EMBEDDINGS = 8192
EMBEDDING_DIM = 256
COMMITMENT_COST = 0.25


def _l2_normalize(x, axis):
    n = jnp.linalg.norm(x, axis=axis, keepdims=True)
    return x / jnp.clip(n, 1e-12)


def setup_inputs(seed: int = 0) -> dict:
    key = jax.random.key(seed)
    k1, k2 = jax.random.split(key)
    z = jax.random.normal(k1, (8, 256, 24, 24), dtype=jnp.float32)
    W = jax.random.uniform(k2, (NUM_EMBEDDINGS, EMBEDDING_DIM), dtype=jnp.float32,
                           minval=-1.0 / NUM_EMBEDDINGS, maxval=1.0 / NUM_EMBEDDINGS)
    return {"z": z, "W": W}


def reference(z, W):
    # inputs: [B, C, H, W] -> [B, H, W, C]
    inputs = jnp.transpose(z, (0, 2, 3, 1))
    input_shape = inputs.shape
    flat_x = inputs.reshape(-1, EMBEDDING_DIM)
    flat_x = _l2_normalize(flat_x, axis=1)
    w_norm = _l2_normalize(W, axis=1)
    distances = (jnp.sum(flat_x ** 2, axis=1, keepdims=True)
                 + jnp.sum(w_norm ** 2, axis=1)
                 - 2.0 * jnp.matmul(flat_x, w_norm.T))
    encoding_indices = jnp.argmin(distances, axis=1)
    encodings = jax.nn.one_hot(encoding_indices, NUM_EMBEDDINGS, dtype=jnp.float32)
    # quantized uses the UN-normalized embedding weight, as in the torch code
    quantized = jnp.matmul(encodings, W).reshape(input_shape)
    e_latent_loss = jnp.mean((jax.lax.stop_gradient(quantized) - inputs) ** 2)
    loss = COMMITMENT_COST * e_latent_loss
    quantized_st = inputs + jax.lax.stop_gradient(quantized - inputs)
    quantized_out = jnp.transpose(quantized_st, (0, 3, 1, 2))
    avg_probs = jnp.mean(encodings, axis=0)
    perplexity = jnp.exp(-jnp.sum(avg_probs * jnp.log(avg_probs + 1e-10)))
    return (quantized_out, loss, perplexity, encodings)

if __name__ == "__main__":
    import jax
    _d = setup_inputs()
    print(jax.jit(kernel)(*tuple(_d.values())))

</pallas_src>

<mosaic_0001>
#map = affine_map<(d0, d1) -> (0, 0)>
#map1 = affine_map<(d0, d1) -> (0)>
module attributes {stable_mosaic.version = 14 : i64} {
  func.func @sc_kernel(%arg0: i32, %arg1: i32, %arg2: memref<8192x256xf32, #tpu.memory_space<hbm>>, %arg3: memref<4608xi32, #tpu.memory_space<hbm>>, %arg4: memref<4608x256xf32, #tpu.memory_space<hbm>>, %arg5: memref<32x8192xf32, #tpu.memory_space<hbm>>, %arg6: memref<144xi32, #tpu.memory_space<vmem>>, %arg7: memref<144x256xf32, #tpu.memory_space<vmem>>, %arg8: memref<8192xf32, #tpu.memory_space<vmem>>, %arg9: memref<!tpu.dma_semaphore, #tpu.memory_space<semaphore_mem>>) attributes {dimension_semantics = [#tpu.dimension_semantics<core_parallel>, #tpu.dimension_semantics<subcore_parallel>], iteration_bounds = array<i64: 2, 16>, scalar_prefetch = 0 : i64, scratch_operands = 4 : i64, tpu.core_type = #tpu.core_type<sc_vector_subcore>, window_params = [{transform_indices = #map}, {transform_indices = #map1}, {transform_indices = #map}, {transform_indices = #map}]} {
    %mul3A = arith.constant 2 : i32
    %mul3A_0 = arith.muli %arg1, %mul3A : i32
    %add3A = arith.addi %mul3A_0, %arg0 : i32
    %mul3A_1 = arith.constant 144 : i32
    %mul3A_2 = arith.muli %add3A, %mul3A_1 : i32
    "tpu.region"() ({
      %run_scoped3A = tpu.sem_alloc : memref<!tpu.dma_semaphore, #tpu.memory_space<semaphore_mem>>
      %dma_start3A_46 = tpu.memref_slice %arg3[%mul3A_2] : memref<4608xi32, #tpu.memory_space<hbm>> -> memref<144xi32, #tpu.memory_space<hbm>>
      %dma_start3A_47 = tpu.memref_slice %arg3[%mul3A_2] : memref<4608xi32, #tpu.memory_space<hbm>> -> memref<144xi32, #tpu.memory_space<hbm>>
      tpu.enqueue_dma source(%dma_start3A_47 : memref<144xi32, #tpu.memory_space<hbm>>) target(%arg6 : memref<144xi32, #tpu.memory_space<vmem>>) target_semaphore(%run_scoped3A : memref<!tpu.dma_semaphore, #tpu.memory_space<semaphore_mem>>)
      %dma_wait3A_48 = tpu.memref_slice %arg3[%mul3A_2] : memref<4608xi32, #tpu.memory_space<hbm>> -> memref<144xi32, #tpu.memory_space<hbm>>
      %dma_wait3A_49 = tpu.memref_slice %arg3[%mul3A_2] : memref<4608xi32, #tpu.memory_space<hbm>> -> memref<144xi32, #tpu.memory_space<hbm>>
      tpu.wait_dma2 semaphore(%run_scoped3A : memref<!tpu.dma_semaphore, #tpu.memory_space<semaphore_mem>>) src(%dma_wait3A_49 : memref<144xi32, #tpu.memory_space<hbm>>) dst(%arg6 : memref<144xi32, #tpu.memory_space<vmem>>)
      tpu.yield
    }) : () -> ()
    %dma_start3A = arith.constant 0 : i32
    %dma_start3A_3 = arith.constant 0 : i32
    %dma_start3A_4 = tpu.memref_slice %arg7[%dma_start3A, %dma_start3A_3] : memref<144x256xf32, #tpu.memory_space<vmem>> -> memref<72x256xf32, #tpu.memory_space<vmem>>
    %dma_start3A_5 = arith.constant 0 : i32
    %dma_start3A_6 = tpu.memref_slice %arg6[%dma_start3A_5] : memref<144xi32, #tpu.memory_space<vmem>> -> memref<72xi32, #tpu.memory_space<vmem>>
    %dma_start3A_7 = arith.constant 0 : i32
    %dma_start3A_8 = arith.constant 0 : i32
    %dma_start3A_9 = tpu.memref_slice %arg2[%dma_start3A_7, %dma_start3A_8] : memref<8192x256xf32, #tpu.memory_space<hbm>> -> memref<8192x256xf32, #tpu.memory_space<hbm>>
    tpu.enqueue_indirect_dma source(%dma_start3A_9 : memref<8192x256xf32, #tpu.memory_space<hbm>>) target(%dma_start3A_4 : memref<72x256xf32, #tpu.memory_space<vmem>>) offsets(%dma_start3A_6 : memref<72xi32, #tpu.memory_space<vmem>>) semaphore(%arg9 : memref<!tpu.dma_semaphore, #tpu.memory_space<semaphore_mem>>)
    %dma_start3A_10 = arith.constant 72 : i32
    %dma_start3A_11 = arith.constant 0 : i32
    %dma_start3A_12 = tpu.memref_slice %arg7[%dma_start3A_10, %dma_start3A_11] : memref<144x256xf32, #tpu.memory_space<vmem>> -> memref<72x256xf32, #tpu.memory_space<vmem>>
    %dma_start3A_13 = arith.constant 72 : i32
    %dma_start3A_14 = tpu.memref_slice %arg6[%dma_start3A_13] : memref<144xi32, #tpu.memory_space<vmem>> -> memref<72xi32, #tpu.memory_space<vmem>>
    %dma_start3A_15 = arith.constant 0 : i32
    %dma_start3A_16 = arith.constant 0 : i32
    %dma_start3A_17 = tpu.memref_slice %arg2[%dma_start3A_15, %dma_start3A_16] : memref<8192x256xf32, #tpu.memory_space<hbm>> -> memref<8192x256xf32, #tpu.memory_space<hbm>>
    tpu.enqueue_indirect_dma source(%dma_start3A_17 : memref<8192x256xf32, #tpu.memory_space<hbm>>) target(%dma_start3A_12 : memref<72x256xf32, #tpu.memory_space<vmem>>) offsets(%dma_start3A_14 : memref<72xi32, #tpu.memory_space<vmem>>) semaphore(%arg9 : memref<!tpu.dma_semaphore, #tpu.memory_space<semaphore_mem>>)
    %iota3A = tpu.iota {dimensions = array<i32: 0>} : vector<16xi32>
    %scan3A = arith.constant 0 : i32
    %scan3A_18 = arith.constant 0 : i32
    %scan3A_19 = arith.constant 512 : i32
    %scan3A_20 = arith.addi %scan3A_18, %scan3A_19 : i32
    %scan3A_21 = arith.constant 1 : i32
    %scan3A_22 = scf.for %scan3A_46 = %scan3A_18 to %scan3A_20 step %scan3A_21 iter_args(%scan3A_47 = %scan3A) -> (i32)  : i32 {
      %broadcast_in_dim3A = arith.constant 0.000000e+00 : f32
      %broadcast_in_dim3A_48 = vector.broadcast %broadcast_in_dim3A : f32 to vector<16xf32>
      %mul3A_49 = arith.constant 16 : i32
      %mul3A_50 = arith.muli %scan3A_46, %mul3A_49 : i32
      %swap3A = arith.index_cast %mul3A_50 : i32 to index
      %swap3A_51 = tpu.vector_load %arg8[%swap3A] {strides = array<i32>} : memref<8192xf32, #tpu.memory_space<vmem>>, vector<16xf32>,
      tpu.vector_store %arg8[%swap3A], %broadcast_in_dim3A_48 {strides = array<i32>} : memref<8192xf32, #tpu.memory_space<vmem>>, vector<16xf32>,
      %scan3A_52 = arith.constant 0 : i32
      scf.yield %scan3A_52 : i32
    }
    %scan3A_23 = arith.constant 512 : i32
    %scan3A_24 = arith.constant 0 : i32
    %scan3A_25 = arith.constant 0 : i32
    %scan3A_26 = arith.constant 144 : i32
    %scan3A_27 = arith.addi %scan3A_25, %scan3A_26 : i32
    %scan3A_28 = arith.constant 1 : i32
    %scan3A_29 = scf.for %scan3A_46 = %scan3A_25 to %scan3A_27 step %scan3A_28 iter_args(%scan3A_47 = %scan3A_24) -> (i32)  : i32 {
      %jit3A = arith.constant 16 : i32
      %div3A = arith.divsi %scan3A_46, %jit3A : i32
      %sign3A = arith.constant 0 : i32
      %sign3A_48 = arith.cmpi sgt, %scan3A_46, %sign3A : i32
      %sign3A_49 = arith.extui %sign3A_48 : i1 to i32
      %sign3A_50 = arith.constant 0 : i32
      %sign3A_51 = arith.cmpi slt, %scan3A_46, %sign3A_50 : i32
      %sign3A_52 = arith.extui %sign3A_51 : i1 to i32
      %sign3A_53 = arith.subi %sign3A_49, %sign3A_52 : i32
      %sign3A_54 = arith.constant 0 : i32
      %sign3A_55 = arith.cmpi sgt, %jit3A, %sign3A_54 : i32
      %sign3A_56 = arith.extui %sign3A_55 : i1 to i32
      %sign3A_57 = arith.constant 0 : i32
      %sign3A_58 = arith.cmpi slt, %jit3A, %sign3A_57 : i32
      %sign3A_59 = arith.extui %sign3A_58 : i1 to i32
      %sign3A_60 = arith.subi %sign3A_56, %sign3A_59 : i32
      %ne3A = arith.cmpi ne, %sign3A_53, %sign3A_60 : i32
      %rem3A = arith.remsi %scan3A_46, %jit3A : i32
      %ne3A_61 = arith.constant 0 : i32
      %ne3A_62 = arith.cmpi ne, %rem3A, %ne3A_61 : i32
      %and3A = arith.andi %ne3A, %ne3A_62 : i1
      %sub3A = arith.constant 1 : i32
      %sub3A_63 = arith.subi %div3A, %sub3A : i32
      %select_n3A = arith.select %and3A, %sub3A_63, %div3A : i32
      %mul3A_64 = arith.constant 16 : i32
      %mul3A_65 = arith.muli %select_n3A, %mul3A_64 : i32
      %sub3A_66 = arith.subi %scan3A_46, %mul3A_65 : i32
      %mul3A_67 = arith.constant 16 : i32
      %mul3A_68 = arith.muli %select_n3A, %mul3A_67 : i32
      %get3A = arith.index_cast %mul3A_68 : i32 to index
      %get3A_69 = tpu.vector_load %arg6[%get3A] {strides = array<i32>} : memref<144xi32, #tpu.memory_space<vmem>>, vector<16xi32>,
      %broadcast_in_dim3A = arith.constant 1.000000e+00 : f32
      %broadcast_in_dim3A_70 = vector.broadcast %broadcast_in_dim3A : f32 to vector<16xf32>
      %eq3A = vector.broadcast %sub3A_66 : i32 to vector<16xi32>
      %eq3A_71 = arith.cmpi eq, %iota3A, %eq3A : vector<16xi32>
      tpu.vector_store_idx %arg8[%get3A_69], %broadcast_in_dim3A_70 masked %eq3A_71 {add = true} : memref<8192xf32, #tpu.memory_space<vmem>>[vector<16xi32>], vector<16xf32>, vector<16xi1>
      %scan3A_72 = arith.constant 0 : i32
      scf.yield %scan3A_72 : i32
    }
    %scan3A_30 = arith.constant 144 : i32
    "tpu.region"() ({
      %run_scoped3A = tpu.sem_alloc : memref<!tpu.dma_semaphore, #tpu.memory_space<semaphore_mem>>
      %dma_start3A_46 = arith.constant 0 : i32
      %dma_start3A_47 = tpu.memref_slice %arg5[%add3A, %dma_start3A_46] : memref<32x8192xf32, #tpu.memory_space<hbm>> -> memref<1x8192xf32, #tpu.memory_space<hbm>>
      %dma_start3A_48 = tpu.memref_squeeze %dma_start3A_47 : memref<1x8192xf32, #tpu.memory_space<hbm>> -> memref<8192xf32, #tpu.memory_space<hbm>>
      %dma_start3A_49 = arith.constant 0 : i32
      %dma_start3A_50 = tpu.memref_slice %arg5[%add3A, %dma_start3A_49] : memref<32x8192xf32, #tpu.memory_space<hbm>> -> memref<1x8192xf32, #tpu.memory_space<hbm>>
      %dma_start3A_51 = tpu.memref_squeeze %dma_start3A_50 : memref<1x8192xf32, #tpu.memory_space<hbm>> -> memref<8192xf32, #tpu.memory_space<hbm>>
      tpu.enqueue_dma source(%arg8 : memref<8192xf32, #tpu.memory_space<vmem>>) target(%dma_start3A_51 : memref<8192xf32, #tpu.memory_space<hbm>>) target_semaphore(%run_scoped3A : memref<!tpu.dma_semaphore, #tpu.memory_space<semaphore_mem>>)
      %dma_wait3A_52 = arith.constant 0 : i32
      %dma_wait3A_53 = tpu.memref_slice %arg5[%add3A, %dma_wait3A_52] : memref<32x8192xf32, #tpu.memory_space<hbm>> -> memref<1x8192xf32, #tpu.memory_space<hbm>>
      %dma_wait3A_54 = tpu.memref_squeeze %dma_wait3A_53 : memref<1x8192xf32, #tpu.memory_space<hbm>> -> memref<8192xf32, #tpu.memory_space<hbm>>
      %dma_wait3A_55 = arith.constant 0 : i32
      %dma_wait3A_56 = tpu.memref_slice %arg5[%add3A, %dma_wait3A_55] : memref<32x8192xf32, #tpu.memory_space<hbm>> -> memref<1x8192xf32, #tpu.memory_space<hbm>>
      %dma_wait3A_57 = tpu.memref_squeeze %dma_wait3A_56 : memref<1x8192xf32, #tpu.memory_space<hbm>> -> memref<8192xf32, #tpu.memory_space<hbm>>
      tpu.wait_dma2 semaphore(%run_scoped3A : memref<!tpu.dma_semaphore, #tpu.memory_space<semaphore_mem>>) src(%arg8 : memref<8192xf32, #tpu.memory_space<vmem>>) dst(%dma_wait3A_57 : memref<8192xf32, #tpu.memory_space<hbm>>)
      tpu.yield
    }) : () -> ()
    %dma_wait3A = arith.constant 0 : i32
    %dma_wait3A_31 = arith.constant 0 : i32
    %dma_wait3A_32 = tpu.memref_slice %arg7[%dma_wait3A, %dma_wait3A_31] : memref<144x256xf32, #tpu.memory_space<vmem>> -> memref<72x256xf32, #tpu.memory_space<vmem>>
    %dma_wait3A_33 = arith.constant 0 : i32
    %dma_wait3A_34 = tpu.memref_slice %arg6[%dma_wait3A_33] : memref<144xi32, #tpu.memory_space<vmem>> -> memref<72xi32, #tpu.memory_space<vmem>>
    %dma_wait3A_35 = arith.constant 0 : i32
    %dma_wait3A_36 = arith.constant 0 : i32
    %dma_wait3A_37 = tpu.memref_slice %arg2[%dma_wait3A_35, %dma_wait3A_36] : memref<8192x256xf32, #tpu.memory_space<hbm>> -> memref<8192x256xf32, #tpu.memory_space<hbm>>
    tpu.wait_indirect_dma semaphore(%arg9 : memref<!tpu.dma_semaphore, #tpu.memory_space<semaphore_mem>>) src(%dma_wait3A_37 : memref<8192x256xf32, #tpu.memory_space<hbm>>) dst(%dma_wait3A_32 : memref<72x256xf32, #tpu.memory_space<vmem>>)
    %dma_wait3A_38 = arith.constant 72 : i32
    %dma_wait3A_39 = arith.constant 0 : i32
    %dma_wait3A_40 = tpu.memref_slice %arg7[%dma_wait3A_38, %dma_wait3A_39] : memref<144x256xf32, #tpu.memory_space<vmem>> -> memref<72x256xf32, #tpu.memory_space<vmem>>
    %dma_wait3A_41 = arith.constant 72 : i32
    %dma_wait3A_42 = tpu.memref_slice %arg6[%dma_wait3A_41] : memref<144xi32, #tpu.memory_space<vmem>> -> memref<72xi32, #tpu.memory_space<vmem>>
    %dma_wait3A_43 = arith.constant 0 : i32
    %dma_wait3A_44 = arith.constant 0 : i32
    %dma_wait3A_45 = tpu.memref_slice %arg2[%dma_wait3A_43, %dma_wait3A_44] : memref<8192x256xf32, #tpu.memory_space<hbm>> -> memref<8192x256xf32, #tpu.memory_space<hbm>>
    tpu.wait_indirect_dma semaphore(%arg9 : memref<!tpu.dma_semaphore, #tpu.memory_space<semaphore_mem>>) src(%dma_wait3A_45 : memref<8192x256xf32, #tpu.memory_space<hbm>>) dst(%dma_wait3A_40 : memref<72x256xf32, #tpu.memory_space<vmem>>)
    "tpu.region"() ({
      %run_scoped3A = tpu.sem_alloc : memref<!tpu.dma_semaphore, #tpu.memory_space<semaphore_mem>>
      %dma_start3A_46 = arith.constant 0 : i32
      %dma_start3A_47 = tpu.memref_slice %arg4[%mul3A_2, %dma_start3A_46] : memref<4608x256xf32, #tpu.memory_space<hbm>> -> memref<144x256xf32, #tpu.memory_space<hbm>>
      %dma_start3A_48 = arith.constant 0 : i32
      %dma_start3A_49 = tpu.memref_slice %arg4[%mul3A_2, %dma_start3A_48] : memref<4608x256xf32, #tpu.memory_space<hbm>> -> memref<144x256xf32, #tpu.memory_space<hbm>>
      tpu.enqueue_dma source(%arg7 : memref<144x256xf32, #tpu.memory_space<vmem>>) target(%dma_start3A_49 : memref<144x256xf32, #tpu.memory_space<hbm>>) target_semaphore(%run_scoped3A : memref<!tpu.dma_semaphore, #tpu.memory_space<semaphore_mem>>)
      %dma_wait3A_50 = arith.constant 0 : i32
      %dma_wait3A_51 = tpu.memref_slice %arg4[%mul3A_2, %dma_wait3A_50] : memref<4608x256xf32, #tpu.memory_space<hbm>> -> memref<144x256xf32, #tpu.memory_space<hbm>>
      %dma_wait3A_52 = arith.constant 0 : i32
      %dma_wait3A_53 = tpu.memref_slice %arg4[%mul3A_2, %dma_wait3A_52] : memref<4608x256xf32, #tpu.memory_space<hbm>> -> memref<144x256xf32, #tpu.memory_space<hbm>>
      tpu.wait_dma2 semaphore(%run_scoped3A : memref<!tpu.dma_semaphore, #tpu.memory_space<semaphore_mem>>) src(%arg7 : memref<144x256xf32, #tpu.memory_space<vmem>>) dst(%dma_wait3A_53 : memref<144x256xf32, #tpu.memory_space<hbm>>)
      tpu.yield
    }) : () -> ()
    return
  }
}

module attributes {stable_mosaic.version = 14 : i64} {
  func.func @_vq_body(%arg0: i32, %arg1: i32, %arg2: memref<1x256x576xf32, #tpu.memory_space<vmem>>, %arg3: memref<8192x256xf32, #tpu.memory_space<vmem>>, %arg4: memref<1x8192xf32, #tpu.memory_space<vmem>>, %arg5: memref<576x1xi32, #tpu.memory_space<vmem>>, %arg6: memref<576x2048xf32, #tpu.memory_space<vmem>>, %arg7: memref<1152x1xf32, #tpu.memory_space<vmem>>, %arg8: memref<1152x1xi32, #tpu.memory_space<vmem>>, %arg9: memref<1152x1xi32, #tpu.memory_space<vmem>>) attributes {dimension_semantics = [#tpu.dimension_semantics<arbitrary>, #tpu.dimension_semantics<arbitrary>], iteration_bounds = array<i64: 9, 4>, scalar_prefetch = 0 : i64, scratch_operands = 3 : i64, tpu.core_type = #tpu.core_type<tc>, window_params = [{transform_indices = @transform_0, window_bounds = array<i64: 1, 256, 576>}, {pipeline_mode = #tpu.pipeline_mode<synchronous>, transform_indices = @transform_1, window_bounds = array<i64: 8192, 256>}, {pipeline_mode = #tpu.pipeline_mode<synchronous>, transform_indices = @transform_2, window_bounds = array<i64: 1, 8192>}, {transform_indices = @transform_3, window_bounds = array<i64: 576, 1>}, {transform_indices = @transform_4, window_bounds = array<i64: 576, 2048>}]} {
    %min3A = arith.constant 7 : i32
    %min3A_0 = arith.minsi %arg0, %min3A : i32
    %jit3A = arith.constant 2 : i32
    %eq3A = arith.constant 0 : i32
    %eq3A_1 = arith.cmpi eq, %jit3A, %eq3A : i32
    %jit3A_2 = arith.constant 1 : i32
    %select_n3A = arith.select %eq3A_1, %jit3A_2, %jit3A : i32
    %rem3A = arith.remsi %min3A_0, %select_n3A : i32
    %ne3A = arith.constant 0 : i32
    %ne3A_3 = arith.cmpi ne, %rem3A, %ne3A : i32
    %lt3A = arith.constant 0 : i32
    %lt3A_4 = arith.cmpi slt, %rem3A, %lt3A : i32
    %lt3A_5 = arith.constant 0 : i32
    %lt3A_6 = arith.cmpi slt, %select_n3A, %lt3A_5 : i32
    %ne3A_7 = arith.xori %lt3A_4, %lt3A_6 : i1
    %and3A = arith.andi %ne3A_7, %ne3A_3 : i1
    %add3A = arith.addi %rem3A, %select_n3A : i32
    %select_n3A_8 = arith.select %and3A, %add3A, %rem3A : i32
    %mul3A = arith.constant 576 : i32
    %mul3A_9 = arith.muli %select_n3A_8, %mul3A : i32
    %sub3A = arith.constant 1 : i32
    %sub3A_10 = arith.subi %arg0, %sub3A : i32
    %max3A = arith.constant 0 : i32
    %max3A_11 = arith.maxsi %sub3A_10, %max3A : i32
    %jit3A_12 = arith.constant 2 : i32
    %eq3A_13 = arith.constant 0 : i32
    %eq3A_14 = arith.cmpi eq, %jit3A_12, %eq3A_13 : i32
    %jit3A_15 = arith.constant 1 : i32
    %select_n3A_16 = arith.select %eq3A_14, %jit3A_15, %jit3A_12 : i32
    %rem3A_17 = arith.remsi %max3A_11, %select_n3A_16 : i32
    %ne3A_18 = arith.constant 0 : i32
    %ne3A_19 = arith.cmpi ne, %rem3A_17, %ne3A_18 : i32
    %lt3A_20 = arith.constant 0 : i32
    %lt3A_21 = arith.cmpi slt, %rem3A_17, %lt3A_20 : i32
    %lt3A_22 = arith.constant 0 : i32
    %lt3A_23 = arith.cmpi slt, %select_n3A_16, %lt3A_22 : i32
    %ne3A_24 = arith.xori %lt3A_21, %lt3A_23 : i1
    %and3A_25 = arith.andi %ne3A_24, %ne3A_19 : i1
    %add3A_26 = arith.addi %rem3A_17, %select_n3A_16 : i32
    %select_n3A_27 = arith.select %and3A_25, %add3A_26, %rem3A_17 : i32
    %mul3A_28 = arith.constant 576 : i32
    %mul3A_29 = arith.muli %select_n3A_27, %mul3A_28 : i32
    %get3A = arith.constant 0 : index
    %get3A_30 = arith.constant 0 : index
    %get3A_31 = arith.constant 0 : index
    %get3A_32 = vector.load %arg2[%get3A, %get3A_30, %get3A_31] : memref<1x256x576xf32, #tpu.memory_space<vmem>>, vector<1x256x576xf32>
    %get3A_33 = vector.shape_cast %get3A_32 : vector<1x256x576xf32> to vector<256x576xf32>
    %mul3A_34 = arith.mulf %get3A_33, %get3A_33 : vector<256x576xf32>
    %reduce_sum3A = arith.constant dense<0.000000e+00> : vector<576xf32>
    %reduce_sum3A_35 = vector.multi_reduction <add>, %mul3A_34, %reduce_sum3A [0] : vector<256x576xf32> to vector<576xf32>
    %broadcast_in_dim3A = vector.shape_cast %reduce_sum3A_35 : vector<576xf32> to vector<1x576xf32>
    %sqrt3A = math.sqrt %broadcast_in_dim3A : vector<1x576xf32>
    %jit3A_36 = arith.constant 9.99999996E-13 : f32
    %max3A_37 = vector.broadcast %jit3A_36 : f32 to vector<1x576xf32>
    %max3A_38 = arith.maximumf %max3A_37, %sqrt3A : vector<1x576xf32>
    %div3A = vector.broadcast %max3A_38 : vector<1x576xf32> to vector<256x576xf32>
    %div3A_39 = arith.divf %get3A_33, %div3A : vector<256x576xf32>
    %mul3A_40 = arith.constant -2.000000e+00 : f32
    %mul3A_41 = vector.broadcast %mul3A_40 : f32 to vector<256x576xf32>
    %mul3A_42 = arith.mulf %div3A_39, %mul3A_41 : vector<256x576xf32>
    %mul3A_43 = arith.mulf %div3A_39, %div3A_39 : vector<256x576xf32>
    %reduce_sum3A_44 = arith.constant dense<0.000000e+00> : vector<576xf32>
    %reduce_sum3A_45 = vector.multi_reduction <add>, %mul3A_43, %reduce_sum3A_44 [0] : vector<256x576xf32> to vector<576xf32>
    %broadcast_in_dim3A_46 = vector.shape_cast %reduce_sum3A_45 : vector<576xf32> to vector<1x576xf32>
    %transpose3A = tpu.transpose %broadcast_in_dim3A_46, [1, 0] : vector<1x576xf32> -> vector<576x1xf32>
    %mul3A_47 = arith.constant 2048 : i32
    %mul3A_48 = arith.muli %arg1, %mul3A_47 : i32
    %get3A_49 = arith.index_cast %mul3A_48 : i32 to index
    %get3A_50 = arith.constant 0 : index
    %get3A_51 = vector.load %arg3[%get3A_49, %get3A_50] : memref<8192x256xf32, #tpu.memory_space<vmem>>, vector<2048x256xf32>
    %dot_general3A = arith.constant dense<0.000000e+00> : vector<576x2048xf32>
    %dot_general3A_52 = tpu.matmul %mul3A_42, %get3A_51, %dot_general3A {dimension_numbers = #tpu.dot_dimension_numbers<[0], [1], [1], [0], [0, 1, 1, 0], [], []>, transpose_lhs_hint = false} : vector<256x576xf32>, vector<2048x256xf32>, vector<576x2048xf32> -> vector<576x2048xf32>
    %mul3A_53 = arith.constant 2048 : i32
    %mul3A_54 = arith.muli %arg1, %mul3A_53 : i32
    %get3A_55 = arith.constant 0 : index
    %get3A_56 = arith.index_cast %mul3A_54 : i32 to index
    %get3A_57 = vector.load %arg4[%get3A_55, %get3A_56] : memref<1x8192xf32, #tpu.memory_space<vmem>>, vector<1x2048xf32>
    %add3A_58 = vector.broadcast %transpose3A : vector<576x1xf32> to vector<576x2048xf32>
    %add3A_59 = vector.broadcast %get3A_57 : vector<1x2048xf32> to vector<576x2048xf32>
    %add3A_60 = arith.addf %add3A_58, %add3A_59 : vector<576x2048xf32>
    %add3A_61 = arith.addf %add3A_60, %dot_general3A_52 : vector<576x2048xf32>
    %reduce_min3A = arith.constant dense<0x7F800000> : vector<576xf32>
    %reduce_min3A_62 = vector.multi_reduction <minimumf>, %add3A_61, %reduce_min3A [1] : vector<576x2048xf32> to vector<576xf32>
    %broadcast_in_dim3A_63 = vector.shape_cast %reduce_min3A_62 : vector<576xf32> to vector<576x1xf32>
    %iota3A = tpu.iota {dimensions = array<i32: 1>} : vector<1x2048xi32>
    %eq3A_64 = vector.broadcast %broadcast_in_dim3A_63 : vector<576x1xf32> to vector<576x2048xf32>
    %eq3A_65 = arith.cmpf oeq, %add3A_61, %eq3A_64 : vector<576x2048xf32>
    %jit3A_66 = arith.constant 1073741824 : i32
    %broadcast_in_dim3A_67 = vector.shape_cast %iota3A : vector<1x2048xi32> to vector<1x2048xi32>
    %broadcast_in_dim3A_68 = vector.broadcast %broadcast_in_dim3A_67 : vector<1x2048xi32> to vector<576x2048xi32>
    %broadcast_in_dim3A_69 = vector.broadcast %jit3A_66 : i32 to vector<576x2048xi32>
    %select_n3A_70 = arith.select %eq3A_65, %broadcast_in_dim3A_68, %broadcast_in_dim3A_69 : vector<576x2048xi1>, vector<576x2048xi32>
    %reduce_min3A_71 = arith.constant dense<2147483647> : vector<576xi32>
    %reduce_min3A_72 = vector.multi_reduction <minsi>, %select_n3A_70, %reduce_min3A_71 [1] : vector<576x2048xi32> to vector<576xi32>
    %broadcast_in_dim3A_73 = vector.shape_cast %reduce_min3A_72 : vector<576xi32> to vector<576x1xi32>
    %mul3A_74 = arith.constant 2048 : i32
    %mul3A_75 = arith.muli %arg1, %mul3A_74 : i32
    %add3A_76 = vector.broadcast %mul3A_75 : i32 to vector<576x1xi32>
    %add3A_77 = arith.addi %broadcast_in_dim3A_73, %add3A_76 : vector<576x1xi32>
    %eq3A_78 = arith.constant 0 : i32
    %eq3A_79 = arith.cmpi eq, %arg1, %eq3A_78 : i32
    %convert_element_type3A = arith.extui %eq3A_79 : i1 to i32
    %cond3A = arith.constant 0 : i32
    %cond3A_80 = arith.cmpi ne, %convert_element_type3A, %cond3A : i32
    scf.if %cond3A_80 {
      %swap3A_107 = arith.index_cast %mul3A_9 : i32 to index
      %swap3A_108 = arith.constant 0 : index
      %swap3A_109 = vector.load %arg7[%swap3A_107, %swap3A_108] : memref<1152x1xf32, #tpu.memory_space<vmem>>, vector<576x1xf32>
      tpu.vector_store %arg7[%swap3A_107, %swap3A_108], %broadcast_in_dim3A_63 {strides = array<i32>} : memref<1152x1xf32, #tpu.memory_space<vmem>>, vector<576x1xf32>,
      %swap3A_110 = arith.index_cast %mul3A_9 : i32 to index
      %swap3A_111 = arith.constant 0 : index
      %swap3A_112 = vector.load %arg8[%swap3A_110, %swap3A_111] : memref<1152x1xi32, #tpu.memory_space<vmem>>, vector<576x1xi32>
      tpu.vector_store %arg8[%swap3A_110, %swap3A_111], %add3A_77 {strides = array<i32>} : memref<1152x1xi32, #tpu.memory_space<vmem>>, vector<576x1xi32>,
    } else {
    }
    %gt3A = arith.constant 0 : i32
    %gt3A_81 = arith.cmpi sgt, %arg1, %gt3A : i32
    %convert_element_type3A_82 = arith.extui %gt3A_81 : i1 to i32
    %cond3A_83 = arith.constant 0 : i32
    %cond3A_84 = arith.cmpi ne, %convert_element_type3A_82, %cond3A_83 : i32
    scf.if %cond3A_84 {
      %get3A_107 = arith.index_cast %mul3A_9 : i32 to index
      %get3A_108 = arith.constant 0 : index
      %get3A_109 = vector.load %arg7[%get3A_107, %get3A_108] : memref<1152x1xf32, #tpu.memory_space<vmem>>, vector<576x1xf32>
      %get3A_110 = arith.index_cast %mul3A_9 : i32 to index
      %get3A_111 = arith.constant 0 : index
      %get3A_112 = vector.load %arg8[%get3A_110, %get3A_111] : memref<1152x1xi32, #tpu.memory_space<vmem>>, vector<576x1xi32>
      %lt3A_113 = arith.cmpf olt, %broadcast_in_dim3A_63, %get3A_109 : vector<576x1xf32>
      %select_n3A_114 = arith.select %lt3A_113, %broadcast_in_dim3A_63, %get3A_109 : vector<576x1xi1>, vector<576x1xf32>
      %swap3A_115 = arith.index_cast %mul3A_9 : i32 to index
      %swap3A_116 = arith.constant 0 : index
      %swap3A_117 = vector.load %arg7[%swap3A_115, %swap3A_116] : memref<1152x1xf32, #tpu.memory_space<vmem>>, vector<576x1xf32>
      tpu.vector_store %arg7[%swap3A_115, %swap3A_116], %select_n3A_114 {strides = array<i32>} : memref<1152x1xf32, #tpu.memory_space<vmem>>, vector<576x1xf32>,
      %select_n3A_118 = arith.select %lt3A_113, %add3A_77, %get3A_112 : vector<576x1xi1>, vector<576x1xi32>
      %swap3A_119 = arith.index_cast %mul3A_9 : i32 to index
      %swap3A_120 = arith.constant 0 : index
      %swap3A_121 = vector.load %arg8[%swap3A_119, %swap3A_120] : memref<1152x1xi32, #tpu.memory_space<vmem>>, vector<576x1xi32>
      tpu.vector_store %arg8[%swap3A_119, %swap3A_120], %select_n3A_118 {strides = array<i32>} : memref<1152x1xi32, #tpu.memory_space<vmem>>, vector<576x1xi32>,
    } else {
    }
    %eq3A_85 = arith.constant 3 : i32
    %eq3A_86 = arith.cmpi eq, %arg1, %eq3A_85 : i32
    %convert_element_type3A_87 = arith.extui %eq3A_86 : i1 to i32
    %cond3A_88 = arith.constant 0 : i32
    %cond3A_89 = arith.cmpi ne, %convert_element_type3A_87, %cond3A_88 : i32
    scf.if %cond3A_89 {
      %get3A_107 = arith.index_cast %mul3A_9 : i32 to index
      %get3A_108 = arith.constant 0 : index
      %get3A_109 = vector.load %arg8[%get3A_107, %get3A_108] : memref<1152x1xi32, #tpu.memory_space<vmem>>, vector<576x1xi32>
      %swap3A_110 = arith.constant 0 : index
      %swap3A_111 = arith.constant 0 : index
      %swap3A_112 = vector.load %arg5[%swap3A_110, %swap3A_111] : memref<576x1xi32, #tpu.memory_space<vmem>>, vector<576x1xi32>
      tpu.vector_store %arg5[%swap3A_110, %swap3A_111], %get3A_109 {strides = array<i32>} : memref<576x1xi32, #tpu.memory_space<vmem>>, vector<576x1xi32>,
      %swap3A_113 = arith.index_cast %mul3A_9 : i32 to index
      %swap3A_114 = arith.constant 0 : index
      %swap3A_115 = vector.load %arg9[%swap3A_113, %swap3A_114] : memref<1152x1xi32, #tpu.memory_space<vmem>>, vector<576x1xi32>
      tpu.vector_store %arg9[%swap3A_113, %swap3A_114], %get3A_109 {strides = array<i32>} : memref<1152x1xi32, #tpu.memory_space<vmem>>, vector<576x1xi32>,
    } else {
    }
    %get3A_90 = arith.index_cast %mul3A_29 : i32 to index
    %get3A_91 = arith.constant 0 : index
    %get3A_92 = vector.load %arg9[%get3A_90, %get3A_91] : memref<1152x1xi32, #tpu.memory_space<vmem>>, vector<576x1xi32>
    %mul3A_93 = arith.constant 2048 : i32
    %mul3A_94 = arith.muli %arg1, %mul3A_93 : i32
    %sub3A_95 = vector.broadcast %mul3A_94 : i32 to vector<576x1xi32>
    %sub3A_96 = arith.subi %get3A_92, %sub3A_95 : vector<576x1xi32>
    %eq3A_97 = vector.broadcast %iota3A : vector<1x2048xi32> to vector<576x2048xi32>
    %eq3A_98 = vector.broadcast %sub3A_96 : vector<576x1xi32> to vector<576x2048xi32>
    %eq3A_99 = arith.cmpi eq, %eq3A_97, %eq3A_98 : vector<576x2048xi32>
    %jit3A_100 = arith.constant 1.000000e+00 : f32
    %jit3A_101 = arith.constant 0.000000e+00 : f32
    %broadcast_in_dim3A_102 = vector.broadcast %jit3A_100 : f32 to vector<576x2048xf32>
    %broadcast_in_dim3A_103 = vector.broadcast %jit3A_101 : f32 to vector<576x2048xf32>
    %select_n3A_104 = arith.select %eq3A_99, %broadcast_in_dim3A_102, %broadcast_in_dim3A_103 : vector<576x2048xi1>, vector<576x2048xf32>
    %swap3A = arith.constant 0 : index
    %swap3A_105 = arith.constant 0 : index
    %swap3A_106 = vector.load %arg6[%swap3A, %swap3A_105] : memref<576x2048xf32, #tpu.memory_space<vmem>>, vector<576x2048xf32>
    tpu.vector_store %arg6[%swap3A, %swap3A_105], %select_n3A_104 {strides = array<i32>} : memref<576x2048xf32, #tpu.memory_space<vmem>>, vector<576x2048xf32>,
    return
  }
  func.func @transform_0(%arg0: i32, %arg1: i32) -> (i32, i32, i32) {
    %min3A = arith.constant 7 : i32
    %min3A_0 = arith.minsi %arg0, %min3A : i32
    %c0_i32 = arith.constant 0 : i32
    %c0_i32_1 = arith.constant 0 : i32
    %c0_i32_2 = arith.constant 0 : i32
    return %min3A_0, %c0_i32, %c0_i32_1 : i32, i32, i32
  }
  func.func @transform_1(%arg0: i32, %arg1: i32) -> (i32, i32) {
    %c0_i32 = arith.constant 0 : i32
    %c0_i32_0 = arith.constant 0 : i32
    %c0_i32_1 = arith.constant 0 : i32
    return %c0_i32, %c0_i32_0 : i32, i32
  }
  func.func @transform_2(%arg0: i32, %arg1: i32) -> (i32, i32) {
    %c0_i32 = arith.constant 0 : i32
    %c0_i32_0 = arith.constant 0 : i32
    %c0_i32_1 = arith.constant 0 : i32
    return %c0_i32, %c0_i32_0 : i32, i32
  }
  func.func @transform_3(%arg0: i32, %arg1: i32) -> (i32, i32) {
    %min3A = arith.constant 7 : i32
    %min3A_0 = arith.minsi %arg0, %min3A : i32
    %c0_i32 = arith.constant 0 : i32
    %c0_i32_1 = arith.constant 0 : i32
    return %min3A_0, %c0_i32 : i32, i32
  }
  func.func @transform_4(%arg0: i32, %arg1: i32) -> (i32, i32) {
    %sub3A = arith.constant 1 : i32
    %sub3A_0 = arith.subi %arg0, %sub3A : i32
    %max3A = arith.constant 0 : i32
    %max3A_1 = arith.maxsi %sub3A_0, %max3A : i32
    %c0_i32 = arith.constant 0 : i32
    return %max3A_1, %arg1 : i32, i32
  }
}

module attributes {stable_mosaic.version = 14 : i64} {
  func.func @_st_loss_body(%arg0: i32, %arg1: memref<4608x256xf32, #tpu.memory_space<vmem>>, %arg2: memref<4608x256xf32, #tpu.memory_space<vmem>>, %arg3: memref<32x8192xf32, #tpu.memory_space<vmem>>, %arg4: memref<4608x256xf32, #tpu.memory_space<vmem>>, %arg5: memref<1x1xf32, #tpu.memory_space<vmem>>, %arg6: memref<1x1xf32, #tpu.memory_space<vmem>>) attributes {dimension_semantics = [#tpu.dimension_semantics<arbitrary>], iteration_bounds = array<i64: 1>, scalar_prefetch = 0 : i64, scratch_operands = 0 : i64, tpu.core_type = #tpu.core_type<tc>, window_params = [{pipeline_mode = #tpu.pipeline_mode<synchronous>, transform_indices = @transform_0, window_bounds = array<i64: 4608, 256>}, {pipeline_mode = #tpu.pipeline_mode<synchronous>, transform_indices = @transform_1, window_bounds = array<i64: 4608, 256>}, {pipeline_mode = #tpu.pipeline_mode<synchronous>, transform_indices = @transform_2, window_bounds = array<i64: 32, 8192>}, {pipeline_mode = #tpu.pipeline_mode<synchronous>, transform_indices = @transform_3, window_bounds = array<i64: 4608, 256>}, {pipeline_mode = #tpu.pipeline_mode<synchronous>, transform_indices = @transform_4, window_bounds = array<i64: 1, 1>}, {pipeline_mode = #tpu.pipeline_mode<synchronous>, transform_indices = @transform_5, window_bounds = array<i64: 1, 1>}]} {
    %get3A = arith.constant 0 : index
    %get3A_0 = arith.constant 0 : index
    %get3A_1 = vector.load %arg1[%get3A, %get3A_0] : memref<4608x256xf32, #tpu.memory_space<vmem>>, vector<4608x256xf32>
    %get3A_2 = arith.constant 0 : index
    %get3A_3 = arith.constant 0 : index
    %get3A_4 = vector.load %arg2[%get3A_2, %get3A_3] : memref<4608x256xf32, #tpu.memory_space<vmem>>, vector<4608x256xf32>
    %sub3A = arith.subf %get3A_1, %get3A_4 : vector<4608x256xf32>
    %add3A = arith.addf %get3A_4, %sub3A : vector<4608x256xf32>
    %swap3A = arith.constant 0 : index
    %swap3A_5 = arith.constant 0 : index
    %swap3A_6 = vector.load %arg4[%swap3A, %swap3A_5] : memref<4608x256xf32, #tpu.memory_space<vmem>>, vector<4608x256xf32>
    tpu.vector_store %arg4[%swap3A, %swap3A_5], %add3A {strides = array<i32>} : memref<4608x256xf32, #tpu.memory_space<vmem>>, vector<4608x256xf32>,
    %mul3A = arith.mulf %sub3A, %sub3A : vector<4608x256xf32>
    %reduce_sum3A = arith.constant dense<0.000000e+00> : vector<4608xf32>
    %reduce_sum3A_7 = vector.multi_reduction <add>, %mul3A, %reduce_sum3A [1] : vector<4608x256xf32> to vector<4608xf32>
    %broadcast_in_dim3A = vector.shape_cast %reduce_sum3A_7 : vector<4608xf32> to vector<4608x1xf32>
    %reduce_sum3A_8 = arith.constant dense<0.000000e+00> : vector<1xf32>
    %reduce_sum3A_9 = vector.multi_reduction <add>, %broadcast_in_dim3A, %reduce_sum3A_8 [0] : vector<4608x1xf32> to vector<1xf32>
    %broadcast_in_dim3A_10 = vector.shape_cast %reduce_sum3A_9 : vector<1xf32> to vector<1x1xf32>
    %mul3A_11 = arith.constant 8.4771051E-7 : f32
    %mul3A_12 = vector.broadcast %mul3A_11 : f32 to vector<1x1xf32>
    %mul3A_13 = arith.mulf %broadcast_in_dim3A_10, %mul3A_12 : vector<1x1xf32>
    %mul3A_14 = arith.constant 2.500000e-01 : f32
    %mul3A_15 = vector.broadcast %mul3A_14 : f32 to vector<1x1xf32>
    %mul3A_16 = arith.mulf %mul3A_15, %mul3A_13 : vector<1x1xf32>
    %swap3A_17 = arith.constant 0 : index
    %swap3A_18 = arith.constant 0 : index
    %swap3A_19 = vector.load %arg5[%swap3A_17, %swap3A_18] : memref<1x1xf32, #tpu.memory_space<vmem>>, vector<1x1xf32>
    tpu.vector_store %arg5[%swap3A_17, %swap3A_18], %mul3A_16 {strides = array<i32>} : memref<1x1xf32, #tpu.memory_space<vmem>>, vector<1x1xf32>,
    %get3A_20 = arith.constant 0 : index
    %get3A_21 = arith.constant 0 : index
    %get3A_22 = vector.load %arg3[%get3A_20, %get3A_21] : memref<32x8192xf32, #tpu.memory_space<vmem>>, vector<32x8192xf32>
    %reduce_sum3A_23 = arith.constant dense<0.000000e+00> : vector<8192xf32>
    %reduce_sum3A_24 = vector.multi_reduction <add>, %get3A_22, %reduce_sum3A_23 [0] : vector<32x8192xf32> to vector<8192xf32>
    %broadcast_in_dim3A_25 = vector.shape_cast %reduce_sum3A_24 : vector<8192xf32> to vector<1x8192xf32>
    %mul3A_26 = arith.constant 2.17013891E-4 : f32
    %mul3A_27 = vector.broadcast %mul3A_26 : f32 to vector<1x8192xf32>
    %mul3A_28 = arith.mulf %broadcast_in_dim3A_25, %mul3A_27 : vector<1x8192xf32>
    %add3A_29 = arith.constant 1.000000e-10 : f32
    %add3A_30 = vector.broadcast %add3A_29 : f32 to vector<1x8192xf32>
    %add3A_31 = arith.addf %mul3A_28, %add3A_30 : vector<1x8192xf32>
    %log3A = math.log %add3A_31 : vector<1x8192xf32>
    %mul3A_32 = arith.mulf %mul3A_28, %log3A : vector<1x8192xf32>
    %reduce_sum3A_33 = arith.constant dense<0.000000e+00> : vector<1xf32>
    %reduce_sum3A_34 = vector.multi_reduction <add>, %mul3A_32, %reduce_sum3A_33 [1] : vector<1x8192xf32> to vector<1xf32>
    %broadcast_in_dim3A_35 = vector.shape_cast %reduce_sum3A_34 : vector<1xf32> to vector<1x1xf32>
    %neg3A = arith.constant 0.000000e+00 : f32
    %neg3A_36 = vector.broadcast %neg3A : f32 to vector<1x1xf32>
    %neg3A_37 = arith.subf %neg3A_36, %broadcast_in_dim3A_35 : vector<1x1xf32>
    %exp3A = math.exp %neg3A_37 : vector<1x1xf32>
    %swap3A_38 = arith.constant 0 : index
    %swap3A_39 = arith.constant 0 : index
    %swap3A_40 = vector.load %arg6[%swap3A_38, %swap3A_39] : memref<1x1xf32, #tpu.memory_space<vmem>>, vector<1x1xf32>
    tpu.vector_store %arg6[%swap3A_38, %swap3A_39], %exp3A {strides = array<i32>} : memref<1x1xf32, #tpu.memory_space<vmem>>, vector<1x1xf32>,
    return
  }
  func.func @transform_0(%arg0: i32) -> (i32, i32) {
    %c0_i32 = arith.constant 0 : i32
    %c0_i32_0 = arith.constant 0 : i32
    %c0_i32_1 = arith.constant 0 : i32
    return %c0_i32, %c0_i32_0 : i32, i32
  }
  func.func @transform_1(%arg0: i32) -> (i32, i32) {
    %c0_i32 = arith.constant 0 : i32
    %c0_i32_0 = arith.constant 0 : i32
    %c0_i32_1 = arith.constant 0 : i32
    return %c0_i32, %c0_i32_0 : i32, i32
  }
  func.func @transform_2(%arg0: i32) -> (i32, i32) {
    %c0_i32 = arith.constant 0 : i32
    %c0_i32_0 = arith.constant 0 : i32
    %c0_i32_1 = arith.constant 0 : i32
    return %c0_i32, %c0_i32_0 : i32, i32
  }
  func.func @transform_3(%arg0: i32) -> (i32, i32) {
    %c0_i32 = arith.constant 0 : i32
    %c0_i32_0 = arith.constant 0 : i32
    %c0_i32_1 = arith.constant 0 : i32
    return %c0_i32, %c0_i32_0 : i32, i32
  }
  func.func @transform_4(%arg0: i32) -> (i32, i32) {
    %c0_i32 = arith.constant 0 : i32
    %c0_i32_0 = arith.constant 0 : i32
    %c0_i32_1 = arith.constant 0 : i32
    return %c0_i32, %c0_i32_0 : i32, i32
  }
  func.func @transform_5(%arg0: i32) -> (i32, i32) {
    %c0_i32 = arith.constant 0 : i32
    %c0_i32_0 = arith.constant 0 : i32
    %c0_i32_1 = arith.constant 0 : i32
    return %c0_i32, %c0_i32_0 : i32, i32
  }
}

</mosaic_0001>

<sc_bundles>
// kernel: kernel.5.cloned.1.call-start
scs
__scs_entry_jumppad:
0x0: {  	(pc) =	sbr.rel $0x88, $3  }
0x1: {  	(tag) =	ssettag $0x0;
	lr =	simm.s32 $0x1  }
0x2: {  	[smem:$0x3F9F] =	sst lr;
	_ =	strace $0xD0000000  }
0x3: {  	_ = 	snop  }
0x4: {  	_ = 	snop  }
0x5: {  	_ = 	snop  }
0x6: {  	_ = 	snop  }
0x7: {  	_ = 	snop  }
__scs_overlays_trampoline_lowered:
0x8: {  	[smem:$0x3FAE] =	sst s0  }
0x9: {  	[smem:$0x3FAF] =	sst s1  }
0xa: {  	[smem:$0x3FB0] =	sst s2  }
0xb: {  	[smem:$0x3FB1] =	sst s3  }
0xc: {  	[smem:$0x3FB2] =	sst s4  }
0xd: {  	[smem:$0x3FB3] =	sst s5  }
0xe: {  	[smem:$0x3FB4] =	sst s6  }
0xf: {  	[smem:$0x3FB5] =	sst s7  }
0x10: {  	[smem:$0x3FB6] =	sst s8  }
0x11: {  	[smem:$0x3FB7] =	sst s9;
	s0 =	simm.s32 @!p0 $0x0  }
0x12: {  	s1 =	sld [smem:$0x3F9D];
	s0 =	simm.s32 @p0 $0x1  }
0x13: {  	[smem:$0x3FB8] =	sst s0;
	s0 =	simm.s32 @!p1 $0x0  }
0x14: {  	s2 =	sld [smem:$0x3F9C];
	s0 =	simm.s32 @p1 $0x1  }
0x15: {  	[smem:$0x3FB9] =	sst s0;
	s0 =	simm.s32 @!p2 $0x0  }
0x16: {  	s3 =	sld [smem:$0x3FDB];
	s0 =	simm.s32 @p2 $0x1  }
0x17: {  	s4 =	simm.s32 $0x1BF5;
	[smem:$0x3FBB] =	sst s0  }
0x18: {  	s0 =	sld [smem:$0x3F9E];
	_ =	swait.ge [sflag:s4], $0x0  }
0x19: {  	s7 =	sld [smem:$0x3F9F]  }
0x1a: {  	s8 =	sadd.s32 $0xFFFFE003, lr  }
0x1b: {  	s9 =	sadd.s32 $0xFFFFFEF7, lr;
	s5 =	simm.s32 $0xFFFFFFFF;
	p2 =	slt.u32 s8, $0xFFFFF086  }
0x1c: {  	p1 =	slt.u32 s9, $0xF7A;
	s5 =	simm.s32 @!p2 $0x0  }
0x1d: {  	s5 =	simm.s32 @p1 $0x1;
	p0 =	seq.s32 s7, s2  }
0x1e: {  	s7 =	smul.u32 @!p0 $0xF7A, s2;
	p2 =	seq.s32 @!p0 s5, $0x0  }
0x1f: {  	s9 =	smul.u32 $0xF7A, s1;
	s8 =	simm.s32 @!p0 $0x1BF5;
	p2 =	por !p2, p0  }
0x20: {  	[sflag:s8] =	ssyncset.s32 @!p0 $0xFFFFF086;
	s6 =	sadd.s32 @!p0 s3, s7;
	s7 =	simm.s32 @!p0 $0x108  }
0x21: {  	s3 =	sadd.s32 s3, s9;
	s6 =	sadd.s32 @!p0 $0x88, s6;
	s7 =	simm.s32 @p2 $0x1082  }
0x22: {  	[simem:s7], [sflag:s8] =	dma.local @!p0 [hbm:s6], $0xF7A  }
0x23: {  	s9 =	sor.u32 $0xD0000000, s2;
	s6 =	simm.s32 $0x108;
	_ =	swait.ge @!p0 [sflag:s8], $0x0  }
0x24: {  	s3 =	sadd.s32 $0x88, s3;
	s6 =	simm.s32 @!p1 $0x1082;
	[sflag:s4] =	ssyncset.s32 $0xFFFFF086  }
0x25: {  	[simem:s6], [sflag:s4] =	dma.local [hbm:s3], $0xF7A  }
0x26: {  	[smem:$0x3F9F] =	sst s1;
	(tag) =	ssettag s2;
	_ =	strace s9  }
0x27: {  	s1 =	sld [smem:$0x3FAF]  }
0x28: {  	s2 =	sld [smem:$0x3FB0]  }
0x29: {  	s4 =	sld [smem:$0x3FB2]  }
0x2a: {  	p0 =	seq.s32 s5, $0x0;
	s5 =	sld [smem:$0x3FB3]  }
0x2b: {  	s6 =	sld [smem:$0x3FB4]  }
0x2c: {  	s7 =	sld [smem:$0x3FB5]  }
0x2d: {  	s3 =	simm.s32 $0x108;
	s8 =	sld [smem:$0x3FB6]  }
0x2e: {  	s3 =	simm.s32 @!p0 $0x1082;
	s9 =	sld [smem:$0x3FB7]  }
0x2f: {  	lr =	sadd.s32 s0, s3;
	s0 =	sld [smem:$0x3FAE]  }
0x30: {  	s3 =	sld [smem:$0x3FB1]  }
0x31: {  	[smem:$0x3FBA] =	sst s10  }
0x32: {  	s10 =	sld [smem:$0x3FB8];
	_ =	sdelay $0x3  }
0x33: {  	p0 =	seq.s32 s10, $0x1;
	s10 =	sld [smem:$0x3FBA];
	_ =	sdelay $0x3  }
0x34: {  	[smem:$0x3FBA] =	sst s10  }
0x35: {  	s10 =	sld [smem:$0x3FB9];
	_ =	sdelay $0x3  }
0x36: {  	p1 =	seq.s32 s10, $0x1;
	s10 =	sld [smem:$0x3FBA];
	_ =	sdelay $0x3  }
0x37: {  	[smem:$0x3FBA] =	sst s10  }
0x38: {  	s10 =	sld [smem:$0x3FBB]  }
0x39: {  	_ = 	snop;
	(pc) =	sbr.ind lr, $3  }
0x3a: {  	_ = 	snop  }
0x3b: {  	_ = 	snop  }
0x3c: {  	p2 =	seq.s32 s10, $0x1;
	s10 =	sld [smem:$0x3FBA]  }
0x3d: {  	_ =	shalt  }
0x3e: {  	_ =	shalt  }
0x3f: {  	_ =	shalt  }
0x40: {  	_ =	shalt  }
0x41: {  	_ =	shalt  }
0x42: {  	_ =	shalt  }
0x43: {  	_ =	shalt  }
0x44: {  	_ =	shalt  }
0x45: {  	_ =	shalt  }
0x46: {  	_ =	shalt  }
0x47: {  	_ =	shalt  }
0x48: {  	_ =	shalt  }
0x49: {  	_ =	shalt  }
0x4a: {  	_ =	shalt  }
0x4b: {  	_ =	shalt  }
0x4c: {  	_ =	shalt  }
0x4d: {  	_ =	shalt  }
0x4e: {  	_ =	shalt  }
0x4f: {  	_ =	shalt  }
0x50: {  	_ =	shalt  }
0x51: {  	_ =	shalt  }
0x52: {  	_ =	shalt  }
0x53: {  	_ =	shalt  }
0x54: {  	_ =	shalt  }
0x55: {  	_ =	shalt  }
0x56: {  	_ =	shalt  }
0x57: {  	_ =	shalt  }
0x58: {  	_ =	shalt  }
0x59: {  	_ =	shalt  }
0x5a: {  	_ =	shalt  }
0x5b: {  	_ =	shalt  }
0x5c: {  	_ =	shalt  }
0x5d: {  	_ =	shalt  }
0x5e: {  	_ =	shalt  }
0x5f: {  	_ =	shalt  }
0x60: {  	_ =	shalt  }
0x61: {  	_ =	shalt  }
0x62: {  	_ =	shalt  }
0x63: {  	_ =	shalt  }
0x64: {  	_ =	shalt  }
0x65: {  	_ =	shalt  }
0x66: {  	_ =	shalt  }
0x67: {  	_ =	shalt  }
0x68: {  	_ =	shalt  }
0x69: {  	_ =	shalt  }
0x6a: {  	_ =	shalt  }
0x6b: {  	_ =	shalt  }
0x6c: {  	_ =	shalt  }
0x6d: {  	_ =	shalt  }
0x6e: {  	_ =	shalt  }
0x6f: {  	_ =	shalt  }
0x70: {  	_ =	shalt  }
0x71: {  	_ =	shalt  }
0x72: {  	_ =	shalt  }
0x73: {  	_ =	shalt  }
0x74: {  	_ =	shalt  }
0x75: {  	_ =	shalt  }
0x76: {  	_ =	shalt  }
0x77: {  	_ =	shalt  }
0x78: {  	_ =	shalt  }
0x79: {  	_ =	shalt  }
0x7a: {  	_ =	shalt  }
0x7b: {  	_ =	shalt  }
0x7c: {  	_ =	shalt  }
0x7d: {  	_ =	shalt  }
0x7e: {  	_ =	shalt  }
0x7f: {  	_ =	shalt  }
0x80: {  	_ =	shalt  }
0x81: {  	_ =	shalt  }
0x82: {  	_ =	shalt  }
0x83: {  	_ =	shalt  }
0x84: {  	_ =	shalt  }
0x85: {  	_ =	shalt  }
0x86: {  	_ =	shalt  }
0x87: {  	_ =	shalt  }
.Lfunc_end0:
.L_simem_size_0:
called_computation_lowered:
.L_overlay_start_0:
0x88: {  	s2 =	sld [smem:$0x3FD9]  }
0x89: {  	s3 =	sld [smem:$0x3FFE];
	_ =	sdelay $0x1  }
0x8a: {  	s1 =	srdreg.scid  }
0x8b: {  	s0 =	sand.u32 $0x1, s1  }
0x8c: {  	s14 =	sshll.u32 s0, $0xA;
	s2 =	sadd.s32 s3, s2  }
0x8d: {  	s2 =	sadd.s32 s2, s14  }
0x8e: {  	[smem:$0x3FC6] =	sst s2  }
0x8f: {  	_ = 	snop  }
0x90: {  	s2 =	sld [smem:$0x3FD0];
	_ =	sdelay $0x2  }
0x91: {  	s4 =	simm.s32 $0xA;
	s5 =	simm.s32 $0x10;
	s15 =	sld [smem:$0x3FC8]  }
0x92: {  	[smem:s5], [sflag:s4] =	dma.local [hbm:s2], $0x1  }
0x93: {  	_ =	swait.eq [sflag:s4], $0x1  }
0x94: {  	[sflag:s4] =	ssyncset.done $0x0  }
0x95: {  	[sflag:s4] =	ssyncadd.s32 $0xFFFFFFFF  }
0x96: {  	s16 =	sld [smem:$0x10];
	(tm) =	ssettm $0x1  }
0x97: {  	s17 =	sld [smem:$0x3FFB];
	_ =	sdelay $0x3  }
0x98: {  	_ =	strace s17  }
0x99: {  	s4 =	sld [smem:$0x3FFC];
	_ =	sdelay $0x3  }
0x9a: {  	_ =	strace s4  }
0x9b: {  	s4 =	sld [smem:$0x3FFD];
	_ =	sdelay $0x3  }
0x9c: {  	_ =	strace s4  }
0x9d: {  	_ =	strace $0x8FFFFFFF  }
0x9e: {  	s18 =	sld [smem:$0x3FDB];
	_ =	sdelay $0x1  }
0x9f: {  	s19 =	simm.s32 $_scs_section_size  }
0xa0: {  	s6 =	simm.s32 $_size__tile_overlayer_lowered;
	s7 =	simm.s32 $_tile_overlayer_lowered  }
0xa1: {  	s22 =	simm.s32 $0x1BFF;
	s21 =	sshll.u32 s7, $0x1;
	s4 =	sadd.s32 s19, s18  }
0xa2: {  	s8 =	simm.s32 $0x0;
	s20 =	sshll.u32 s6, $0x1;
	s6 =	sadd.s32 s21, s4  }
0xa3: {  	[timem:s8], [sflag:s22] =	dma.local [hbm:s6], s20  }
0xa4: {  	_ =	swait.ge [sflag:s22], s20  }
0xa5: {  	s5 =	ssub.s32 $0x0, s20;
	[sflag:s22] =	ssyncset.done $0x0  }
0xa6: {  	[sflag:s22] =	ssyncadd.s32 s5;
	_ =	sdelay $0x1  }
0xa7: {  	s23 =	simm.s32 $0x1B8B  }
0xa8: {  	_ =	swait.ge [sflag:s23], $0x1  }
0xa9: {  	[sflag:s23] =	ssyncset.done $0x0  }
0xaa: {  	s25 =	simm.s32 $0x1B8E;
	s24 =	sld [smem:$0x3FFE];
	[sflag:s23] =	ssyncadd.s32 $0xFFFFFFFF  }
0xab: {  	s26 =	simm.s32 $execute0_lowered;
	[smem:$0x3FD2] =	sst s25  }
0xac: {  	s6 =	sshll.u32 s26, $0x1;
	_ =	strace $0x80000046;
	[dreg:$0x1] =	wrdreg $0xFFFFFFFF  }
0xad: {  	s28 =	simm.s32 $_size_execute0_lowered;
	s4 =	sadd.s32 s4, s6;
	[dreg:$0x0] =	wrdreg $0x0  }
0xae: {  	s6 =	sshll.u32 s28, $0x1;
	[dreg:$0x2] =	wrdreg s4  }
0xaf: {  	[dreg:$0x3] =	wrdreg s6  }
0xb0: {  	[dreg:$0x4] =	wrdreg $0xC0  }
0xb1: {  	_ =	task [dreg:s8], $0x5FFFF  }
0xb2: {  	[dreg:$0x1] =	wrdreg $0xFFFFFFFF  }
0xb3: {  	[dreg:$0x0] =	wrdreg $0x60  }
0xb4: {  	[dreg:$0x2] =	wrdreg s15  }
0xb5: {  	[dreg:$0x3] =	wrdreg s24  }
0xb6: {  	[dreg:$0x4] =	wrdreg s16  }
0xb7: {  	[dreg:$0x5] =	wrdreg $0x9  }
0xb8: {  	_ =	task.clear_ibuf [dreg:s8], $0x6FFFF;
	_ =	strace $0x90000046  }
0xb9: {  	s29 =	simm.s32 $0x9;
	_ =	strace $0x80000048  }
0xba: {  	_ =	swait.ge [sflag:s29], $0x1  }
0xbb: {  	[sflag:s29] =	ssyncadd.s32 $0xFFFFFFFF  }
0xbc: {  	_ =	strace $0x90000048  }
0xbd: {  	_ =	sfence  }
0xbe: {  	s30 =	sld [smem:$0x0];
	_ =	sdelay $0x2  }
0xbf: {  	s31 =	sshll.u32 s1, $0xD;
	s1 =	sshrl.u32 s1, $0x2  }
0xc0: {  	s3 =	sand.u32 $0x4000, s31;
	s1 =	sadd.s32 s1, s30  }
0xc1: {  	s0 =	sor.u32 s3, s0;
	s1 =	sshll.u32 s1, $0x11  }
0xc2: {  	s0 =	sor.u32 s1, s0  }
0xc3: {  	s0 =	sadd.s32 $0x8F2B, s0  }
0xc4: {  	[sflag:s0] =	ssyncadd.remote.s32 $0x1  }
0xc5: {  	_ =	sfence.sel $0xFFFF  }
0xc6: {  	[dreg:$0x0] =	wrdreg $0xFFFFFFFF;
	(pc) =	sbr.abs _section_cstart, $3  }
0xc7: {  	[dreg:$0x1] =	wrdreg $0xFFFFFFFF  }
0xc8: {  	_ =	task.clear_ibuf [dreg:s8], $0x2FFFF;
	_ =	strace $0x9FFFFFFF  }
0xc9: {  	(tm) =	ssettm $0x7FFFFFFF  }
tec
execute0_lowered:
.L_overlay_start_1:
0x0: {  	(tag) =	ssettag $0x1  }
0x1: {  	s1 =	rddreg [dreg:$0x0]  }
0x2: {  	s0 =	srdreg.scid;
	s2 =	rddreg [dreg:$0x1]  }
0x3: {  	s7 =	stileid.u32;
	s6 =	rddreg [dreg:$0x2];
	s13 =	simm.s32 $0x2100  }
0x4: {  	s14 =	simm.s32 $0x2900;
	s15 =	simm.s32 $0x3100;
	s16 =	simm.s32 $0x3900  }
0x5: {  	s17 =	simm.s32 $0x4100;
	s18 =	simm.s32 $0x4900;
	s19 =	simm.s32 $0x5100  }
0x6: {  	s20 =	simm.s32 $0x5900;
	s21 =	simm.s32 $0x6100;
	s22 =	simm.s32 $0x6900  }
0x7: {  	s23 =	simm.s32 $0x7100;
	s24 =	simm.s32 $0x7900;
	s25 =	simm.s32 $0x8100  }
0x8: {  	s28 =	simm.s32 $0x9100;
	s29 =	simm.s32 $0x80;
	s30 =	simm.s32 $0x400  }
0x9: {  	s31 =	simm.s32 $0x1;
	s0 =	sand.u32 $0x1, s0;
	s3 =	sshll.u32 s7, $0x1  }
0xa: {  	s7 =	sshll.u32 s7, $0xB;
	s4 =	sor.u32 s0, s3;
	s3 =	simm.s32 $0x0  }
0xb: {  	s7 =	sand.u32 $0x6000, s7;
	s0 =	ssub.s32 $0x2, s0;
	s5 =	smul.u32 $0x12, s4  }
0xc: {  	[smem:$0x7FF] =	sst s3;
	s26 =	sshll.u32 s4, $0x4;
	s8 =	sshrl.u32 s0, $0x1  }
0xd: {  	s9 =	smul.u32 $0x1200, s4;
	_ =	strace $0x80000047;
	s0 =	ssub.s32 s0, s8  }
0xe: {  	s8 =	simm.s32 $0x2;
	s5 =	sadd.s32 s5, s2;
	s2 =	sadd.s32 s7, s2  }
0xf: {  	v0 =	vlaneseq.u32;
	vm0 =	vmmov $0xffff;
	s7 =	sand.u32 $0x70, s26;
	s6 =	sadd.s32 s6, s9;
	s9 =	simm.s32 $0x100  }
0x10: {  	v4 =	vimm.f32 $0.0e+00;
	v5 =	vimm.f32 $1.000000000e+00;
	v2 =	vshrl.u32 v0, $0x3;
	s26 =	simm.s32 $0x8900;
	s4 =	sadd.s32 $0x600, s5;
	s2 =	sadd.s32 s7, s2  }
0x11: {  	v1 =	vand.u32 $0x7, v0;
	v3 =	vor.u32 $0x8, v0;
	v2 =	vmul.u32 $0x8, v2;
	s7 =	smax.u32 s0, $0x1;
	s5 =	sadd.s32 $0xA00, s2;
	s2 =	simm.s32 $0x0  }
.LBB2_1:
0x12: {  	[tilespmem:s3], [sflag:$0x2] =	stream.linear.gather [hbm4b:s4+s3], $0x90, $0x38;
	[tilespmem:$0xB100] =	vst v63  }
0x13: {  	_ =	swait.ge [sflag:s8], $0x90  }
0x14: {  	[sflag:s8] =	ssyncset.done $0x0  }
0x15: {  	[sflag:s8] =	ssyncadd.s32 $0xFFFFFF70  }
0x16: {  	v6 =	vld [tilespmem:$0x0];
	_ =	sdelay $0x4  }
0x17: {  	v7 =	vshll.u32 v6, $0x1  }
0x18: {  	v6 =	vand.u32 $0x7, v6;
	v7 =	vand.u32 $0xFFFFFFF0, v7  }
0x19: {  	v6 =	vor.u32 v6, v7  }
0x1a: {  	v7 =	vperm.xlane v6, v1;
	_ =	sdelay $0x1  }
0x1b: {  	v6 =	vperm.xlane v6, v3;
	v7 =	vadd.s32 v2, v7;
	_ =	sdelay $0x1  }
0x1c: {  	v6 =	vadd.s32 v2, v6;
	_ =	sdelay $0x2  }
0x1d: {  	[tilespmem:s9], [sflag:$0x1] =	stream.indirect_vreg.gather [hbm4b:s1+s3], $0x80, v7, vm0, $0xb8;
	[tilespmem:$0xB100] =	vst v63  }
0x1e: {  	s0 =	simm.s32 $0x900  }
0x1f: {  	[tilespmem:s0], [sflag:$0x1] =	stream.indirect_vreg.gather [hbm4b:s1+s3], $0x80, v6, vm0, $0xb8;
	[tilespmem:$0xB100] =	vst v63  }
0x20: {  	v6 =	vld [tilespmem:$0x10];
	_ =	sdelay $0x4  }
0x21: {  	v7 =	vshll.u32 v6, $0x1  }
0x22: {  	v6 =	vand.u32 $0x7, v6;
	v7 =	vand.u32 $0xFFFFFFF0, v7  }
0x23: {  	v6 =	vor.u32 v6, v7  }
0x24: {  	v7 =	vperm.xlane v6, v1;
	_ =	sdelay $0x1  }
0x25: {  	v6 =	vperm.xlane v6, v3;
	v7 =	vadd.s32 v2, v7;
	_ =	sdelay $0x1  }
0x26: {  	v6 =	vadd.s32 v2, v6;
	_ =	sdelay $0x1  }
0x27: {  	s11 =	simm.s32 $0x1100  }
0x28: {  	[tilespmem:s11], [sflag:$0x1] =	stream.indirect_vreg.gather [hbm4b:s1+s3], $0x80, v7, vm0, $0xb8;
	[tilespmem:$0xB100] =	vst v63  }
0x29: {  	s12 =	simm.s32 $0x1900  }
0x2a: {  	[tilespmem:s12], [sflag:$0x1] =	stream.indirect_vreg.gather [hbm4b:s1+s3], $0x80, v6, vm0, $0xb8;
	[tilespmem:$0xB100] =	vst v63  }
0x2b: {  	v6 =	vld [tilespmem:$0x20];
	_ =	sdelay $0x4  }
0x2c: {  	v7 =	vshll.u32 v6, $0x1  }
0x2d: {  	v6 =	vand.u32 $0x7, v6;
	v7 =	vand.u32 $0xFFFFFFF0, v7  }
0x2e: {  	v6 =	vor.u32 v6, v7  }
0x2f: {  	v7 =	vperm.xlane v6, v1;
	_ =	sdelay $0x1  }
0x30: {  	v6 =	vperm.xlane v6, v3;
	v7 =	vadd.s32 v2, v7;
	_ =	sdelay $0x1  }
0x31: {  	v6 =	vadd.s32 v2, v6;
	_ =	sdelay $0x2  }
0x32: {  	[tilespmem:s13], [sflag:$0x1] =	stream.indirect_vreg.gather [hbm4b:s1+s3], $0x80, v7, vm0, $0xb8;
	[tilespmem:$0xB100] =	vst v63  }
0x33: {  	_ = 	snop  }
0x34: {  	[tilespmem:s14], [sflag:$0x1] =	stream.indirect_vreg.gather [hbm4b:s1+s3], $0x80, v6, vm0, $0xb8;
	[tilespmem:$0xB100] =	vst v63  }
0x35: {  	v6 =	vld [tilespmem:$0x30];
	_ =	sdelay $0x4  }
0x36: {  	v7 =	vshll.u32 v6, $0x1  }
0x37: {  	v6 =	vand.u32 $0x7, v6;
	v7 =	vand.u32 $0xFFFFFFF0, v7  }
0x38: {  	v6 =	vor.u32 v6, v7  }
0x39: {  	v7 =	vperm.xlane v6, v1;
	_ =	sdelay $0x1  }
0x3a: {  	v6 =	vperm.xlane v6, v3;
	v7 =	vadd.s32 v2, v7;
	_ =	sdelay $0x1  }
0x3b: {  	v6 =	vadd.s32 v2, v6;
	_ =	sdelay $0x2  }
0x3c: {  	[tilespmem:s15], [sflag:$0x1] =	stream.indirect_vreg.gather [hbm4b:s1+s3], $0x80, v7, vm0, $0xb8;
	[tilespmem:$0xB100] =	vst v63  }
0x3d: {  	_ = 	snop  }
0x3e: {  	[tilespmem:s16], [sflag:$0x1] =	stream.indirect_vreg.gather [hbm4b:s1+s3], $0x80, v6, vm0, $0xb8;
	[tilespmem:$0xB100] =	vst v63  }
0x3f: {  	v6 =	vld.msk [tilespmem:$0x40], $0xff;
	_ =	sdelay $0x4  }
0x40: {  	v7 =	vshll.u32 v6, $0x1  }
0x41: {  	v6 =	vand.u32 $0x7, v6;
	v7 =	vand.u32 $0xFFFFFFF0, v7  }
0x42: {  	v6 =	vor.u32 v6, v7  }
0x43: {  	v6 =	vperm.xlane v6, v1;
	_ =	sdelay $0x1  }
0x44: {  	v6 =	vadd.s32 v2, v6;
	_ =	sdelay $0x4  }
0x45: {  	[tilespmem:s17], [sflag:$0x1] =	stream.indirect_vreg.gather [hbm4b:s1+s3], $0x80, v6, vm0, $0xb8;
	[tilespmem:$0xB100] =	vst v63  }
0x46: {  	v6 =	vld [tilespmem:$0x48];
	_ =	sdelay $0x4  }
0x47: {  	v7 =	vshll.u32 v6, $0x1  }
0x48: {  	v6 =	vand.u32 $0x7, v6;
	v7 =	vand.u32 $0xFFFFFFF0, v7  }
0x49: {  	v6 =	vor.u32 v6, v7  }
0x4a: {  	v7 =	vperm.xlane v6, v1;
	_ =	sdelay $0x1  }
0x4b: {  	v6 =	vperm.xlane v6, v3;
	v7 =	vadd.s32 v2, v7;
	_ =	sdelay $0x1  }
0x4c: {  	v6 =	vadd.s32 v2, v6;
	_ =	sdelay $0x2  }
0x4d: {  	[tilespmem:s18], [sflag:$0x1] =	stream.indirect_vreg.gather [hbm4b:s1+s3], $0x80, v7, vm0, $0xb8;
	[tilespmem:$0xB100] =	vst v63  }
0x4e: {  	_ = 	snop  }
0x4f: {  	[tilespmem:s19], [sflag:$0x1] =	stream.indirect_vreg.gather [hbm4b:s1+s3], $0x80, v6, vm0, $0xb8;
	[tilespmem:$0xB100] =	vst v63  }
0x50: {  	v6 =	vld [tilespmem:$0x58];
	_ =	sdelay $0x4  }
0x51: {  	v7 =	vshll.u32 v6, $0x1  }
0x52: {  	v6 =	vand.u32 $0x7, v6;
	v7 =	vand.u32 $0xFFFFFFF0, v7  }
0x53: {  	v6 =	vor.u32 v6, v7  }
0x54: {  	v7 =	vperm.xlane v6, v1;
	_ =	sdelay $0x1  }
0x55: {  	v6 =	vperm.xlane v6, v3;
	v7 =	vadd.s32 v2, v7;
	_ =	sdelay $0x1  }
0x56: {  	v6 =	vadd.s32 v2, v6;
	_ =	sdelay $0x2  }
0x57: {  	[tilespmem:s20], [sflag:$0x1] =	stream.indirect_vreg.gather [hbm4b:s1+s3], $0x80, v7, vm0, $0xb8;
	[tilespmem:$0xB100] =	vst v63  }
0x58: {  	_ = 	snop  }
0x59: {  	[tilespmem:s21], [sflag:$0x1] =	stream.indirect_vreg.gather [hbm4b:s1+s3], $0x80, v6, vm0, $0xb8;
	[tilespmem:$0xB100] =	vst v63  }
0x5a: {  	v6 =	vld [tilespmem:$0x68];
	_ =	sdelay $0x4  }
0x5b: {  	v7 =	vshll.u32 v6, $0x1  }
0x5c: {  	v6 =	vand.u32 $0x7, v6;
	v7 =	vand.u32 $0xFFFFFFF0, v7  }
0x5d: {  	v6 =	vor.u32 v6, v7  }
0x5e: {  	v7 =	vperm.xlane v6, v1;
	_ =	sdelay $0x1  }
0x5f: {  	v6 =	vperm.xlane v6, v3;
	v7 =	vadd.s32 v2, v7;
	_ =	sdelay $0x1  }
0x60: {  	v6 =	vadd.s32 v2, v6;
	_ =	sdelay $0x2  }
0x61: {  	[tilespmem:s22], [sflag:$0x1] =	stream.indirect_vreg.gather [hbm4b:s1+s3], $0x80, v7, vm0, $0xb8;
	[tilespmem:$0xB100] =	vst v63  }
0x62: {  	_ = 	snop  }
0x63: {  	[tilespmem:s23], [sflag:$0x1] =	stream.indirect_vreg.gather [hbm4b:s1+s3], $0x80, v6, vm0, $0xb8;
	[tilespmem:$0xB100] =	vst v63  }
0x64: {  	v6 =	vld [tilespmem:$0x78];
	_ =	sdelay $0x4  }
0x65: {  	v7 =	vshll.u32 v6, $0x1  }
0x66: {  	v6 =	vand.u32 $0x7, v6;
	v7 =	vand.u32 $0xFFFFFFF0, v7  }
0x67: {  	v6 =	vor.u32 v6, v7  }
0x68: {  	v7 =	vperm.xlane v6, v1;
	_ =	sdelay $0x1  }
0x69: {  	v6 =	vperm.xlane v6, v3;
	v7 =	vadd.s32 v2, v7;
	_ =	sdelay $0x1  }
0x6a: {  	v6 =	vadd.s32 v2, v6;
	_ =	sdelay $0x2  }
0x6b: {  	[tilespmem:s24], [sflag:$0x1] =	stream.indirect_vreg.gather [hbm4b:s1+s3], $0x80, v7, vm0, $0xb8;
	[tilespmem:$0xB100] =	vst v63  }
0x6c: {  	_ = 	snop  }
0x6d: {  	[tilespmem:s25], [sflag:$0x1] =	stream.indirect_vreg.gather [hbm4b:s1+s3], $0x80, v6, vm0, $0xb8;
	[tilespmem:$0xB100] =	vst v63  }
0x6e: {  	v6 =	vld.msk [tilespmem:$0x88], $0xff;
	_ =	sdelay $0x4  }
0x6f: {  	v7 =	vshll.u32 v6, $0x1  }
0x70: {  	v6 =	vand.u32 $0x7, v6;
	v7 =	vand.u32 $0xFFFFFFF0, v7  }
0x71: {  	v6 =	vor.u32 v6, v7  }
0x72: {  	v6 =	vperm.xlane v6, v1;
	_ =	sdelay $0x1  }
0x73: {  	v6 =	vadd.s32 v2, v6;
	_ =	sdelay $0x3  }
0x74: {  	s0 =	simm.s32 $0x0  }
0x75: {  	[tilespmem:s26], [sflag:$0x1] =	stream.indirect_vreg.gather [hbm4b:s1+s3], $0x80, v6, vm0, $0xb8;
	[tilespmem:$0xB100] =	vst v63  }
.LBB2_2:
0x76: {  	p0 =	sne.s32 s0, $0x7FC0  }
.Ltmp0:
0x77: {  	_ = 	snop;
	(pc) =	sbr.rel @p0 .LBB2_2-.Ltmp0, $3  }
0x78: {  	_ =	sdelay $0x1  }
0x79: {  	s10 =	sshra.s32 s0, $0x2  }
0x7a: {  	s0 =	sadd.s32 $0x40, s0;
	[tilespmem:s10+$0x9100] =	vst v4  }
0x7b: {  	s0 =	simm.s32 $0x0  }
0x7c: {  	s10 =	simm.s32 $0x1;
	s11 =	sand.u32 $0xF0, s0  }
.LBB2_4:
0x7d: {  	p0 =	sne.s32 s10, $0x8F;
	s12 =	sand.u32 $0xF, s0;
	v6 =	vld [tilespmem:s11+$0x0];
	s0 =	smov.u32 s10  }
0x7e: {  	v7 =	vmov s12  }
0x7f: {  	vm1 =	veq.s32 v7, v0;
	_ =	sdelay $0x1  }
.Ltmp1:
0x80: {  	(pc) =	sbr.rel @p0 .LBB2_4-.Ltmp1, $2  }
0x81: {  	_ =	sdelay $0x2  }
0x82: {  	s10 =	sadd.s32 $0x1, s10;
	s11 =	sand.u32 $0xF0, s0;
	[tilespmem:v6+s28+$0x0] =	vst.idx.add.f32.msk vm1, v5  }
0x83: {  	s0 =	sand.u32 $0xF, s0;
	v6 =	vld [tilespmem:s11+$0x0]  }
0x84: {  	v7 =	vmov s0  }
0x85: {  	vm1 =	veq.s32 v7, v0;
	_ =	sdelay $0x5  }
0x86: {  	[tilespmem:v6+s28+$0x0] =	vst.idx.add.f32.msk vm1, v5  }
0x87: {  	[hbm4b:s5+s29] =	stream.strided.scatter [tilespmem:s28], [sflag:$0x2], $0x2000, s30, s29, $0x38;
	[tilespmem:$0xB100] =	vst v63  }
0x88: {  	_ =	swait.ge [sflag:s8], $0x2000  }
0x89: {  	[sflag:s8] =	ssyncset.done $0x0  }
0x8a: {  	[sflag:s8] =	ssyncadd.s32 $0xFFFFE000  }
0x8b: {  	_ =	swait.ge [sflag:s31], $0x4800  }
0x8c: {  	[sflag:s31] =	ssyncset.done $0x0  }
0x8d: {  	[sflag:s31] =	ssyncadd.s32 $0xFFFFB800  }
0x8e: {  	s2 =	sadd.s32 $0x1, s2;
	_ =	swait.ge [sflag:s31], $0x4800  }
0x8f: {  	p0 =	sne.s32 s2, s7;
	[sflag:s31] =	ssyncset.done $0x0  }
.Ltmp2:
0x90: {  	[sflag:s31] =	ssyncadd.s32 $0xFFFFB800;
	(pc) =	sbr.rel @p0 .LBB2_1-.Ltmp2, $4  }
0x91: {  	[hbm4b:s6+s3] =	stream.linear.scatter [tilespmem:s9], [sflag:$0x2], $0x9000, $0x38;
	[tilespmem:$0xB100] =	vst v63  }
0x92: {  	_ =	swait.ge [sflag:s8], $0x9000  }
0x93: {  	[sflag:s8] =	ssyncset.done $0x0  }
0x94: {  	[sflag:s8] =	ssyncadd.s32 $0xFFFF7000  }
0x95: {  	_ =	sfence.sel $0x180000  }
0x96: {  	[bflag:$0x0] =	sbarrier.arrive $0xFFFF  }
0x97: {  	_ =	strace $0x90000047  }
0x98: {  	s0 =	stileid.u32;
	[bflag:$0x2] =	sbarrier.arrive $0xFFFF  }
0x99: {  	p0 =	sne.s32 s0, $0x0;
	s0 =	rddreg [dreg:$0x3]  }
0x9a: {  	s0 =	sadd.s32 @!p0 $0x100000, s0  }
0x9b: {  	[sflag:s0] =	ssyncadd.tile.s32 @!p0 $0x1;
	_ =	shalt  }
.Lfunc_end2:
_tile_overlayer_lowered:
.L_overlay_start_2:
0x9c: {  	(tag) =	ssettag $0x2  }
0x9d: {  	s0 =	rddreg [dreg:$0x0];
	s2 =	stileid.u32  }
0x9e: {  	s1 =	rddreg [dreg:$0x1];
	p0 =	sne.s32 s2, $0x0  }
0x9f: {  	s3 =	rddreg [dreg:$0x2];
	[bflag:$0x3] =	sbarrier.arrive $0xFFFF;
	s2 =	simm.s32 @!p0 $0x1C02  }
0xa0: {  	[timem:s3], [sflag:s2] =	dma.local @!p0 [hbm:s0], s1  }
0xa1: {  	s0 =	simm.s32 @!p0 $0x2  }
0xa2: {  	_ =	swait.ge @!p0 [sflag:s0], s1  }
0xa3: {  	s1 =	ssub.s32 @!p0 $0x0, s1;
	[sflag:s0] =	ssyncset.done @!p0 $0x0  }
0xa4: {  	[sflag:s0] =	ssyncadd.s32 @!p0 s1  }
0xa5: {  	[bflag:$0x3] =	sbarrier.arrive $0xFFFF  }
0xa6: {  	_ =	shalt  }

</sc_bundles>
